<compile_context>
chip_gen: v7x
topology: tpu7x:2x2x1
jax: 0.10.2.dev20260603
libtpu: 0.0.44.dev20260713+nightly
codegen_flags: <defaults>
</compile_context>

<pallas_src>
import jax
import jax.numpy as jnp
from jax import lax
from jax.experimental import pallas as pl
from jax.experimental.pallas import tpu as pltpu
from jax.experimental.pallas import tpu_sc as plsc

NUM_CORES = 2
NUM_SUBCORES = 16
NUM_WORKERS = NUM_CORES * NUM_SUBCORES

VOCAB = 100001
BATCH = 16384
EMBED_DIM = 32
QUARTER = BATCH // 4
LANES = 16


def _lookup_body(titles_hbm, tab_t_hbm, out_t_hbm,
                 row_v, idx_v, out0_v, out1_v, sem_in, sem_out):
    dim = lax.axis_index("s") * NUM_CORES + lax.axis_index("c")
    cp_row = pltpu.async_copy(tab_t_hbm.at[dim], row_v, sem_in)
    cp_idx = pltpu.async_copy(titles_hbm, idx_v, sem_in)
    cp_row.wait()
    cp_idx.wait()

    bufs = (out0_v, out1_v)
    stores = []
    for q in range(BATCH // QUARTER):
        buf = bufs[q % 2]
        if q >= 2:
            stores[q - 2].wait()
        base = q * QUARTER

        @plsc.parallel_loop(0, QUARTER, LANES, unroll=8)
        def _gather_step(i, base=base, buf=buf):
            ids = idx_v[pl.ds(base + i, LANES)]
            buf[pl.ds(i, LANES)] = plsc.load_gather(row_v, [ids])
        stores.append(pltpu.async_copy(
            buf, out_t_hbm.at[dim, pl.ds(base, QUARTER)], sem_out))
    stores[-2].wait()
    stores[-1].wait()


def kernel(titles, table):
    titles = titles.astype(jnp.int32)
    mesh = plsc.VectorSubcoreMesh(core_axis_name="c", subcore_axis_name="s")
    k = pl.kernel(
        _lookup_body,
        out_type=jax.ShapeDtypeStruct((EMBED_DIM, BATCH), jnp.float32),
        mesh=mesh,
        scratch_types=[
            pltpu.VMEM((VOCAB,), jnp.float32),
            pltpu.VMEM((BATCH,), jnp.int32),
            pltpu.VMEM((QUARTER,), jnp.float32),
            pltpu.VMEM((QUARTER,), jnp.float32),
            pltpu.SemaphoreType.DMA,
            pltpu.SemaphoreType.DMA,
        ],
        compiler_params=pltpu.CompilerParams(
            use_tc_tiling_on_sc=True, needs_layout_passes=False
        ),
    )
    return k(titles, table.T).T

# --- scband reference (transcript-rebuilt; emitter-appended) ---
"""Pipeline reference for scband-item-model-2920577761299 (READ-ONLY COPY).

The authoritative reference and input builder live on the scoring server;
editing this copy changes nothing except your own understanding.
"""

import jax, jax.numpy as jnp
import numpy as np

NUM_EMBEDDINGS = 100001
EMBED_DIM = 32
BATCH = 16384

def setup_inputs(seed: int = 0) -> dict:
    key = jax.random.key(seed)
    k_idx, k_tab = jax.random.split(key)
    titles = jax.random.randint(k_idx, (BATCH,), 0, NUM_EMBEDDINGS, dtype=jnp.int64 if jax.config.jax_enable_x64 else jnp.int32)
    # Embedding table (Keras Embedding default: uniform init)
    table = jax.random.uniform(k_tab, (NUM_EMBEDDINGS, EMBED_DIM), dtype=jnp.float32, minval=-0.05, maxval=0.05)
    return {"titles": titles, "table": table}

def reference(titles, table):
    # StringLookup maps strings -> int ids; here titles are already int ids.
    # Embedding lookup == row gather from the table.
    return jnp.take(table, titles, axis=0)

if __name__ == "__main__":
    import jax
    _d = setup_inputs()
    print(jax.jit(kernel)(*tuple(_d.values())))

</pallas_src>

<mosaic_0001>
#map = affine_map<(d0, d1) -> (0)>
#map1 = affine_map<(d0, d1) -> (0, 0)>
module attributes {stable_mosaic.version = 14 : i64} {
  func.func @_lookup_body(%arg0: i32, %arg1: i32, %arg2: memref<16384xi32, #tpu.memory_space<hbm>>, %arg3: memref<32x100001xf32, #tpu.memory_space<hbm>>, %arg4: memref<32x16384xf32, #tpu.memory_space<hbm>>, %arg5: memref<100001xf32, #tpu.memory_space<vmem>>, %arg6: memref<16384xi32, #tpu.memory_space<vmem>>, %arg7: memref<4096xf32, #tpu.memory_space<vmem>>, %arg8: memref<4096xf32, #tpu.memory_space<vmem>>, %arg9: memref<!tpu.dma_semaphore, #tpu.memory_space<semaphore_mem>>, %arg10: memref<!tpu.dma_semaphore, #tpu.memory_space<semaphore_mem>>) attributes {dimension_semantics = [#tpu.dimension_semantics<core_parallel>, #tpu.dimension_semantics<subcore_parallel>], iteration_bounds = array<i64: 2, 16>, scalar_prefetch = 0 : i64, scratch_operands = 6 : i64, tpu.core_type = #tpu.core_type<sc_vector_subcore>, window_params = [{transform_indices = #map}, {transform_indices = #map1}, {transform_indices = #map1}]} {
    %mul3A = arith.constant 2 : i32
    %mul3A_0 = arith.muli %arg1, %mul3A : i32
    %add3A = arith.addi %mul3A_0, %arg0 : i32
    %dma_start3A = arith.constant 0 : i32
    %dma_start3A_1 = tpu.memref_slice %arg3[%add3A, %dma_start3A] : memref<32x100001xf32, #tpu.memory_space<hbm>> -> memref<1x100001xf32, #tpu.memory_space<hbm>>
    %dma_start3A_2 = tpu.memref_squeeze %dma_start3A_1 : memref<1x100001xf32, #tpu.memory_space<hbm>> -> memref<100001xf32, #tpu.memory_space<hbm>>
    %dma_start3A_3 = arith.constant 0 : i32
    %dma_start3A_4 = tpu.memref_slice %arg3[%add3A, %dma_start3A_3] : memref<32x100001xf32, #tpu.memory_space<hbm>> -> memref<1x100001xf32, #tpu.memory_space<hbm>>
    %dma_start3A_5 = tpu.memref_squeeze %dma_start3A_4 : memref<1x100001xf32, #tpu.memory_space<hbm>> -> memref<100001xf32, #tpu.memory_space<hbm>>
    tpu.enqueue_dma source(%dma_start3A_5 : memref<100001xf32, #tpu.memory_space<hbm>>) target(%arg5 : memref<100001xf32, #tpu.memory_space<vmem>>) target_semaphore(%arg9 : memref<!tpu.dma_semaphore, #tpu.memory_space<semaphore_mem>>)
    tpu.enqueue_dma source(%arg2 : memref<16384xi32, #tpu.memory_space<hbm>>) target(%arg6 : memref<16384xi32, #tpu.memory_space<vmem>>) target_semaphore(%arg9 : memref<!tpu.dma_semaphore, #tpu.memory_space<semaphore_mem>>)
    %dma_wait3A = arith.constant 0 : i32
    %dma_wait3A_6 = tpu.memref_slice %arg3[%add3A, %dma_wait3A] : memref<32x100001xf32, #tpu.memory_space<hbm>> -> memref<1x100001xf32, #tpu.memory_space<hbm>>
    %dma_wait3A_7 = tpu.memref_squeeze %dma_wait3A_6 : memref<1x100001xf32, #tpu.memory_space<hbm>> -> memref<100001xf32, #tpu.memory_space<hbm>>
    %dma_wait3A_8 = arith.constant 0 : i32
    %dma_wait3A_9 = tpu.memref_slice %arg3[%add3A, %dma_wait3A_8] : memref<32x100001xf32, #tpu.memory_space<hbm>> -> memref<1x100001xf32, #tpu.memory_space<hbm>>
    %dma_wait3A_10 = tpu.memref_squeeze %dma_wait3A_9 : memref<1x100001xf32, #tpu.memory_space<hbm>> -> memref<100001xf32, #tpu.memory_space<hbm>>
    tpu.wait_dma2 semaphore(%arg9 : memref<!tpu.dma_semaphore, #tpu.memory_space<semaphore_mem>>) src(%dma_wait3A_10 : memref<100001xf32, #tpu.memory_space<hbm>>) dst(%arg5 : memref<100001xf32, #tpu.memory_space<vmem>>)
    tpu.wait_dma2 semaphore(%arg9 : memref<!tpu.dma_semaphore, #tpu.memory_space<semaphore_mem>>) src(%arg2 : memref<16384xi32, #tpu.memory_space<hbm>>) dst(%arg6 : memref<16384xi32, #tpu.memory_space<vmem>>)
    %parallel_loop3A = arith.constant 0 : i32
    %parallel_loop3A_11 = arith.constant 4096 : i32
    %parallel_loop3A_12 = arith.constant 16 : i32
    scf.for %parallel_loop3A_70 = %parallel_loop3A to %parallel_loop3A_11 step %parallel_loop3A_12  : i32 {
      %parallel_loop3A_71 = arith.constant 0 : i32
      %parallel_loop3A_72 = arith.addi %parallel_loop3A_71, %parallel_loop3A_70 : i32
      %parallel_loop3A_73 = arith.index_cast %parallel_loop3A_72 : i32 to index
      %parallel_loop3A_74 = tpu.vector_load %arg6[%parallel_loop3A_73] {strides = array<i32>} : memref<16384xi32, #tpu.memory_space<vmem>>, vector<16xi32>,
      %parallel_loop3A_75 = tpu.vector_load_idx %arg5[%parallel_loop3A_74] : memref<100001xf32, #tpu.memory_space<vmem>>[vector<16xi32>], vector<16xf32>,
      %parallel_loop3A_76 = arith.index_cast %parallel_loop3A_70 : i32 to index
      %parallel_loop3A_77 = tpu.vector_load %arg7[%parallel_loop3A_76] {strides = array<i32>} : memref<4096xf32, #tpu.memory_space<vmem>>, vector<16xf32>,
      tpu.vector_store %arg7[%parallel_loop3A_76], %parallel_loop3A_75 {strides = array<i32>} : memref<4096xf32, #tpu.memory_space<vmem>>, vector<16xf32>,
    } {sc.loop_unroll_factor = 8 : i64, sc.parallel_access}
    %dma_start3A_13 = arith.constant 0 : i32
    %dma_start3A_14 = tpu.memref_slice %arg4[%add3A, %dma_start3A_13] : memref<32x16384xf32, #tpu.memory_space<hbm>> -> memref<1x4096xf32, #tpu.memory_space<hbm>>
    %dma_start3A_15 = tpu.memref_squeeze %dma_start3A_14 : memref<1x4096xf32, #tpu.memory_space<hbm>> -> memref<4096xf32, #tpu.memory_space<hbm>>
    %dma_start3A_16 = arith.constant 0 : i32
    %dma_start3A_17 = tpu.memref_slice %arg4[%add3A, %dma_start3A_16] : memref<32x16384xf32, #tpu.memory_space<hbm>> -> memref<1x4096xf32, #tpu.memory_space<hbm>>
    %dma_start3A_18 = tpu.memref_squeeze %dma_start3A_17 : memref<1x4096xf32, #tpu.memory_space<hbm>> -> memref<4096xf32, #tpu.memory_space<hbm>>
    tpu.enqueue_dma source(%arg7 : memref<4096xf32, #tpu.memory_space<vmem>>) target(%dma_start3A_18 : memref<4096xf32, #tpu.memory_space<hbm>>) target_semaphore(%arg10 : memref<!tpu.dma_semaphore, #tpu.memory_space<semaphore_mem>>)
    %parallel_loop3A_19 = arith.constant 0 : i32
    %parallel_loop3A_20 = arith.constant 4096 : i32
    %parallel_loop3A_21 = arith.constant 16 : i32
    scf.for %parallel_loop3A_70 = %parallel_loop3A_19 to %parallel_loop3A_20 step %parallel_loop3A_21  : i32 {
      %parallel_loop3A_71 = arith.constant 4096 : i32
      %parallel_loop3A_72 = arith.addi %parallel_loop3A_71, %parallel_loop3A_70 : i32
      %parallel_loop3A_73 = arith.index_cast %parallel_loop3A_72 : i32 to index
      %parallel_loop3A_74 = tpu.vector_load %arg6[%parallel_loop3A_73] {strides = array<i32>} : memref<16384xi32, #tpu.memory_space<vmem>>, vector<16xi32>,
      %parallel_loop3A_75 = tpu.vector_load_idx %arg5[%parallel_loop3A_74] : memref<100001xf32, #tpu.memory_space<vmem>>[vector<16xi32>], vector<16xf32>,
      %parallel_loop3A_76 = arith.index_cast %parallel_loop3A_70 : i32 to index
      %parallel_loop3A_77 = tpu.vector_load %arg8[%parallel_loop3A_76] {strides = array<i32>} : memref<4096xf32, #tpu.memory_space<vmem>>, vector<16xf32>,
      tpu.vector_store %arg8[%parallel_loop3A_76], %parallel_loop3A_75 {strides = array<i32>} : memref<4096xf32, #tpu.memory_space<vmem>>, vector<16xf32>,
    } {sc.loop_unroll_factor = 8 : i64, sc.parallel_access}
    %dma_start3A_22 = arith.constant 4096 : i32
    %dma_start3A_23 = tpu.memref_slice %arg4[%add3A, %dma_start3A_22] : memref<32x16384xf32, #tpu.memory_space<hbm>> -> memref<1x4096xf32, #tpu.memory_space<hbm>>
    %dma_start3A_24 = tpu.memref_squeeze %dma_start3A_23 : memref<1x4096xf32, #tpu.memory_space<hbm>> -> memref<4096xf32, #tpu.memory_space<hbm>>
    %dma_start3A_25 = arith.constant 4096 : i32
    %dma_start3A_26 = tpu.memref_slice %arg4[%add3A, %dma_start3A_25] : memref<32x16384xf32, #tpu.memory_space<hbm>> -> memref<1x4096xf32, #tpu.memory_space<hbm>>
    %dma_start3A_27 = tpu.memref_squeeze %dma_start3A_26 : memref<1x4096xf32, #tpu.memory_space<hbm>> -> memref<4096xf32, #tpu.memory_space<hbm>>
    tpu.enqueue_dma source(%arg8 : memref<4096xf32, #tpu.memory_space<vmem>>) target(%dma_start3A_27 : memref<4096xf32, #tpu.memory_space<hbm>>) target_semaphore(%arg10 : memref<!tpu.dma_semaphore, #tpu.memory_space<semaphore_mem>>)
    %dma_wait3A_28 = arith.constant 0 : i32
    %dma_wait3A_29 = tpu.memref_slice %arg4[%add3A, %dma_wait3A_28] : memref<32x16384xf32, #tpu.memory_space<hbm>> -> memref<1x4096xf32, #tpu.memory_space<hbm>>
    %dma_wait3A_30 = tpu.memref_squeeze %dma_wait3A_29 : memref<1x4096xf32, #tpu.memory_space<hbm>> -> memref<4096xf32, #tpu.memory_space<hbm>>
    %dma_wait3A_31 = arith.constant 0 : i32
    %dma_wait3A_32 = tpu.memref_slice %arg4[%add3A, %dma_wait3A_31] : memref<32x16384xf32, #tpu.memory_space<hbm>> -> memref<1x4096xf32, #tpu.memory_space<hbm>>
    %dma_wait3A_33 = tpu.memref_squeeze %dma_wait3A_32 : memref<1x4096xf32, #tpu.memory_space<hbm>> -> memref<4096xf32, #tpu.memory_space<hbm>>
    tpu.wait_dma2 semaphore(%arg10 : memref<!tpu.dma_semaphore, #tpu.memory_space<semaphore_mem>>) src(%arg7 : memref<4096xf32, #tpu.memory_space<vmem>>) dst(%dma_wait3A_33 : memref<4096xf32, #tpu.memory_space<hbm>>)
    %parallel_loop3A_34 = arith.constant 0 : i32
    %parallel_loop3A_35 = arith.constant 4096 : i32
    %parallel_loop3A_36 = arith.constant 16 : i32
    scf.for %parallel_loop3A_70 = %parallel_loop3A_34 to %parallel_loop3A_35 step %parallel_loop3A_36  : i32 {
      %parallel_loop3A_71 = arith.constant 8192 : i32
      %parallel_loop3A_72 = arith.addi %parallel_loop3A_71, %parallel_loop3A_70 : i32
      %parallel_loop3A_73 = arith.index_cast %parallel_loop3A_72 : i32 to index
      %parallel_loop3A_74 = tpu.vector_load %arg6[%parallel_loop3A_73] {strides = array<i32>} : memref<16384xi32, #tpu.memory_space<vmem>>, vector<16xi32>,
      %parallel_loop3A_75 = tpu.vector_load_idx %arg5[%parallel_loop3A_74] : memref<100001xf32, #tpu.memory_space<vmem>>[vector<16xi32>], vector<16xf32>,
      %parallel_loop3A_76 = arith.index_cast %parallel_loop3A_70 : i32 to index
      %parallel_loop3A_77 = tpu.vector_load %arg7[%parallel_loop3A_76] {strides = array<i32>} : memref<4096xf32, #tpu.memory_space<vmem>>, vector<16xf32>,
      tpu.vector_store %arg7[%parallel_loop3A_76], %parallel_loop3A_75 {strides = array<i32>} : memref<4096xf32, #tpu.memory_space<vmem>>, vector<16xf32>,
    } {sc.loop_unroll_factor = 8 : i64, sc.parallel_access}
    %dma_start3A_37 = arith.constant 8192 : i32
    %dma_start3A_38 = tpu.memref_slice %arg4[%add3A, %dma_start3A_37] : memref<32x16384xf32, #tpu.memory_space<hbm>> -> memref<1x4096xf32, #tpu.memory_space<hbm>>
    %dma_start3A_39 = tpu.memref_squeeze %dma_start3A_38 : memref<1x4096xf32, #tpu.memory_space<hbm>> -> memref<4096xf32, #tpu.memory_space<hbm>>
    %dma_start3A_40 = arith.constant 8192 : i32
    %dma_start3A_41 = tpu.memref_slice %arg4[%add3A, %dma_start3A_40] : memref<32x16384xf32, #tpu.memory_space<hbm>> -> memref<1x4096xf32, #tpu.memory_space<hbm>>
    %dma_start3A_42 = tpu.memref_squeeze %dma_start3A_41 : memref<1x4096xf32, #tpu.memory_space<hbm>> -> memref<4096xf32, #tpu.memory_space<hbm>>
    tpu.enqueue_dma source(%arg7 : memref<4096xf32, #tpu.memory_space<vmem>>) target(%dma_start3A_42 : memref<4096xf32, #tpu.memory_space<hbm>>) target_semaphore(%arg10 : memref<!tpu.dma_semaphore, #tpu.memory_space<semaphore_mem>>)
    %dma_wait3A_43 = arith.constant 4096 : i32
    %dma_wait3A_44 = tpu.memref_slice %arg4[%add3A, %dma_wait3A_43] : memref<32x16384xf32, #tpu.memory_space<hbm>> -> memref<1x4096xf32, #tpu.memory_space<hbm>>
    %dma_wait3A_45 = tpu.memref_squeeze %dma_wait3A_44 : memref<1x4096xf32, #tpu.memory_space<hbm>> -> memref<4096xf32, #tpu.memory_space<hbm>>
    %dma_wait3A_46 = arith.constant 4096 : i32
    %dma_wait3A_47 = tpu.memref_slice %arg4[%add3A, %dma_wait3A_46] : memref<32x16384xf32, #tpu.memory_space<hbm>> -> memref<1x4096xf32, #tpu.memory_space<hbm>>
    %dma_wait3A_48 = tpu.memref_squeeze %dma_wait3A_47 : memref<1x4096xf32, #tpu.memory_space<hbm>> -> memref<4096xf32, #tpu.memory_space<hbm>>
    tpu.wait_dma2 semaphore(%arg10 : memref<!tpu.dma_semaphore, #tpu.memory_space<semaphore_mem>>) src(%arg8 : memref<4096xf32, #tpu.memory_space<vmem>>) dst(%dma_wait3A_48 : memref<4096xf32, #tpu.memory_space<hbm>>)
    %parallel_loop3A_49 = arith.constant 0 : i32
    %parallel_loop3A_50 = arith.constant 4096 : i32
    %parallel_loop3A_51 = arith.constant 16 : i32
    scf.for %parallel_loop3A_70 = %parallel_loop3A_49 to %parallel_loop3A_50 step %parallel_loop3A_51  : i32 {
      %parallel_loop3A_71 = arith.constant 12288 : i32
      %parallel_loop3A_72 = arith.addi %parallel_loop3A_71, %parallel_loop3A_70 : i32
      %parallel_loop3A_73 = arith.index_cast %parallel_loop3A_72 : i32 to index
      %parallel_loop3A_74 = tpu.vector_load %arg6[%parallel_loop3A_73] {strides = array<i32>} : memref<16384xi32, #tpu.memory_space<vmem>>, vector<16xi32>,
      %parallel_loop3A_75 = tpu.vector_load_idx %arg5[%parallel_loop3A_74] : memref<100001xf32, #tpu.memory_space<vmem>>[vector<16xi32>], vector<16xf32>,
      %parallel_loop3A_76 = arith.index_cast %parallel_loop3A_70 : i32 to index
      %parallel_loop3A_77 = tpu.vector_load %arg8[%parallel_loop3A_76] {strides = array<i32>} : memref<4096xf32, #tpu.memory_space<vmem>>, vector<16xf32>,
      tpu.vector_store %arg8[%parallel_loop3A_76], %parallel_loop3A_75 {strides = array<i32>} : memref<4096xf32, #tpu.memory_space<vmem>>, vector<16xf32>,
    } {sc.loop_unroll_factor = 8 : i64, sc.parallel_access}
    %dma_start3A_52 = arith.constant 12288 : i32
    %dma_start3A_53 = tpu.memref_slice %arg4[%add3A, %dma_start3A_52] : memref<32x16384xf32, #tpu.memory_space<hbm>> -> memref<1x4096xf32, #tpu.memory_space<hbm>>
    %dma_start3A_54 = tpu.memref_squeeze %dma_start3A_53 : memref<1x4096xf32, #tpu.memory_space<hbm>> -> memref<4096xf32, #tpu.memory_space<hbm>>
    %dma_start3A_55 = arith.constant 12288 : i32
    %dma_start3A_56 = tpu.memref_slice %arg4[%add3A, %dma_start3A_55] : memref<32x16384xf32, #tpu.memory_space<hbm>> -> memref<1x4096xf32, #tpu.memory_space<hbm>>
    %dma_start3A_57 = tpu.memref_squeeze %dma_start3A_56 : memref<1x4096xf32, #tpu.memory_space<hbm>> -> memref<4096xf32, #tpu.memory_space<hbm>>
    tpu.enqueue_dma source(%arg8 : memref<4096xf32, #tpu.memory_space<vmem>>) target(%dma_start3A_57 : memref<4096xf32, #tpu.memory_space<hbm>>) target_semaphore(%arg10 : memref<!tpu.dma_semaphore, #tpu.memory_space<semaphore_mem>>)
    %dma_wait3A_58 = arith.constant 8192 : i32
    %dma_wait3A_59 = tpu.memref_slice %arg4[%add3A, %dma_wait3A_58] : memref<32x16384xf32, #tpu.memory_space<hbm>> -> memref<1x4096xf32, #tpu.memory_space<hbm>>
    %dma_wait3A_60 = tpu.memref_squeeze %dma_wait3A_59 : memref<1x4096xf32, #tpu.memory_space<hbm>> -> memref<4096xf32, #tpu.memory_space<hbm>>
    %dma_wait3A_61 = arith.constant 8192 : i32
    %dma_wait3A_62 = tpu.memref_slice %arg4[%add3A, %dma_wait3A_61] : memref<32x16384xf32, #tpu.memory_space<hbm>> -> memref<1x4096xf32, #tpu.memory_space<hbm>>
    %dma_wait3A_63 = tpu.memref_squeeze %dma_wait3A_62 : memref<1x4096xf32, #tpu.memory_space<hbm>> -> memref<4096xf32, #tpu.memory_space<hbm>>
    tpu.wait_dma2 semaphore(%arg10 : memref<!tpu.dma_semaphore, #tpu.memory_space<semaphore_mem>>) src(%arg7 : memref<4096xf32, #tpu.memory_space<vmem>>) dst(%dma_wait3A_63 : memref<4096xf32, #tpu.memory_space<hbm>>)
    %dma_wait3A_64 = arith.constant 12288 : i32
    %dma_wait3A_65 = tpu.memref_slice %arg4[%add3A, %dma_wait3A_64] : memref<32x16384xf32, #tpu.memory_space<hbm>> -> memref<1x4096xf32, #tpu.memory_space<hbm>>
    %dma_wait3A_66 = tpu.memref_squeeze %dma_wait3A_65 : memref<1x4096xf32, #tpu.memory_space<hbm>> -> memref<4096xf32, #tpu.memory_space<hbm>>
    %dma_wait3A_67 = arith.constant 12288 : i32
    %dma_wait3A_68 = tpu.memref_slice %arg4[%add3A, %dma_wait3A_67] : memref<32x16384xf32, #tpu.memory_space<hbm>> -> memref<1x4096xf32, #tpu.memory_space<hbm>>
    %dma_wait3A_69 = tpu.memref_squeeze %dma_wait3A_68 : memref<1x4096xf32, #tpu.memory_space<hbm>> -> memref<4096xf32, #tpu.memory_space<hbm>>
    tpu.wait_dma2 semaphore(%arg10 : memref<!tpu.dma_semaphore, #tpu.memory_space<semaphore_mem>>) src(%arg8 : memref<4096xf32, #tpu.memory_space<vmem>>) dst(%dma_wait3A_69 : memref<4096xf32, #tpu.memory_space<hbm>>)
    return
  }
}

</mosaic_0001>

<sc_bundles>
// kernel: kernel.3.cloned.1.call-start
scs
__scs_entry_jumppad:
0x0: {  	(pc) =	sbr.rel $0x88, $3  }
0x1: {  	(tag) =	ssettag $0x0;
	lr =	simm.s32 $0x1  }
0x2: {  	[smem:$0x3F9F] =	sst lr;
	_ =	strace $0xD0000000  }
0x3: {  	_ = 	snop  }
0x4: {  	_ = 	snop  }
0x5: {  	_ = 	snop  }
0x6: {  	_ = 	snop  }
0x7: {  	_ = 	snop  }
__scs_overlays_trampoline_lowered:
0x8: {  	[smem:$0x3FAE] =	sst s0  }
0x9: {  	[smem:$0x3FAF] =	sst s1  }
0xa: {  	[smem:$0x3FB0] =	sst s2  }
0xb: {  	[smem:$0x3FB1] =	sst s3  }
0xc: {  	[smem:$0x3FB2] =	sst s4  }
0xd: {  	[smem:$0x3FB3] =	sst s5  }
0xe: {  	[smem:$0x3FB4] =	sst s6  }
0xf: {  	[smem:$0x3FB5] =	sst s7  }
0x10: {  	[smem:$0x3FB6] =	sst s8  }
0x11: {  	[smem:$0x3FB7] =	sst s9;
	s0 =	simm.s32 @!p0 $0x0  }
0x12: {  	s1 =	sld [smem:$0x3F9D];
	s0 =	simm.s32 @p0 $0x1  }
0x13: {  	[smem:$0x3FB8] =	sst s0;
	s0 =	simm.s32 @!p1 $0x0  }
0x14: {  	s2 =	sld [smem:$0x3F9C];
	s0 =	simm.s32 @p1 $0x1  }
0x15: {  	[smem:$0x3FB9] =	sst s0;
	s0 =	simm.s32 @!p2 $0x0  }
0x16: {  	s3 =	sld [smem:$0x3FDB];
	s0 =	simm.s32 @p2 $0x1  }
0x17: {  	s4 =	simm.s32 $0x1BF5;
	[smem:$0x3FBB] =	sst s0  }
0x18: {  	s0 =	sld [smem:$0x3F9E];
	_ =	swait.ge [sflag:s4], $0x0  }
0x19: {  	s7 =	sld [smem:$0x3F9F]  }
0x1a: {  	s8 =	sadd.s32 $0xFFFFE003, lr  }
0x1b: {  	s9 =	sadd.s32 $0xFFFFFEF7, lr;
	s5 =	simm.s32 $0xFFFFFFFF;
	p2 =	slt.u32 s8, $0xFFFFF086  }
0x1c: {  	p1 =	slt.u32 s9, $0xF7A;
	s5 =	simm.s32 @!p2 $0x0  }
0x1d: {  	s5 =	simm.s32 @p1 $0x1;
	p0 =	seq.s32 s7, s2  }
0x1e: {  	s7 =	smul.u32 @!p0 $0xF7A, s2;
	p2 =	seq.s32 @!p0 s5, $0x0  }
0x1f: {  	s9 =	smul.u32 $0xF7A, s1;
	s8 =	simm.s32 @!p0 $0x1BF5;
	p2 =	por !p2, p0  }
0x20: {  	[sflag:s8] =	ssyncset.s32 @!p0 $0xFFFFF086;
	s6 =	sadd.s32 @!p0 s3, s7;
	s7 =	simm.s32 @!p0 $0x108  }
0x21: {  	s3 =	sadd.s32 s3, s9;
	s6 =	sadd.s32 @!p0 $0x88, s6;
	s7 =	simm.s32 @p2 $0x1082  }
0x22: {  	[simem:s7], [sflag:s8] =	dma.local @!p0 [hbm:s6], $0xF7A  }
0x23: {  	s9 =	sor.u32 $0xD0000000, s2;
	s6 =	simm.s32 $0x108;
	_ =	swait.ge @!p0 [sflag:s8], $0x0  }
0x24: {  	s3 =	sadd.s32 $0x88, s3;
	s6 =	simm.s32 @!p1 $0x1082;
	[sflag:s4] =	ssyncset.s32 $0xFFFFF086  }
0x25: {  	[simem:s6], [sflag:s4] =	dma.local [hbm:s3], $0xF7A  }
0x26: {  	[smem:$0x3F9F] =	sst s1;
	(tag) =	ssettag s2;
	_ =	strace s9  }
0x27: {  	s1 =	sld [smem:$0x3FAF]  }
0x28: {  	s2 =	sld [smem:$0x3FB0]  }
0x29: {  	s4 =	sld [smem:$0x3FB2]  }
0x2a: {  	p0 =	seq.s32 s5, $0x0;
	s5 =	sld [smem:$0x3FB3]  }
0x2b: {  	s6 =	sld [smem:$0x3FB4]  }
0x2c: {  	s7 =	sld [smem:$0x3FB5]  }
0x2d: {  	s3 =	simm.s32 $0x108;
	s8 =	sld [smem:$0x3FB6]  }
0x2e: {  	s3 =	simm.s32 @!p0 $0x1082;
	s9 =	sld [smem:$0x3FB7]  }
0x2f: {  	lr =	sadd.s32 s0, s3;
	s0 =	sld [smem:$0x3FAE]  }
0x30: {  	s3 =	sld [smem:$0x3FB1]  }
0x31: {  	[smem:$0x3FBA] =	sst s10  }
0x32: {  	s10 =	sld [smem:$0x3FB8];
	_ =	sdelay $0x3  }
0x33: {  	p0 =	seq.s32 s10, $0x1;
	s10 =	sld [smem:$0x3FBA];
	_ =	sdelay $0x3  }
0x34: {  	[smem:$0x3FBA] =	sst s10  }
0x35: {  	s10 =	sld [smem:$0x3FB9];
	_ =	sdelay $0x3  }
0x36: {  	p1 =	seq.s32 s10, $0x1;
	s10 =	sld [smem:$0x3FBA];
	_ =	sdelay $0x3  }
0x37: {  	[smem:$0x3FBA] =	sst s10  }
0x38: {  	s10 =	sld [smem:$0x3FBB]  }
0x39: {  	_ = 	snop;
	(pc) =	sbr.ind lr, $3  }
0x3a: {  	_ = 	snop  }
0x3b: {  	_ = 	snop  }
0x3c: {  	p2 =	seq.s32 s10, $0x1;
	s10 =	sld [smem:$0x3FBA]  }
0x3d: {  	_ =	shalt  }
0x3e: {  	_ =	shalt  }
0x3f: {  	_ =	shalt  }
0x40: {  	_ =	shalt  }
0x41: {  	_ =	shalt  }
0x42: {  	_ =	shalt  }
0x43: {  	_ =	shalt  }
0x44: {  	_ =	shalt  }
0x45: {  	_ =	shalt  }
0x46: {  	_ =	shalt  }
0x47: {  	_ =	shalt  }
0x48: {  	_ =	shalt  }
0x49: {  	_ =	shalt  }
0x4a: {  	_ =	shalt  }
0x4b: {  	_ =	shalt  }
0x4c: {  	_ =	shalt  }
0x4d: {  	_ =	shalt  }
0x4e: {  	_ =	shalt  }
0x4f: {  	_ =	shalt  }
0x50: {  	_ =	shalt  }
0x51: {  	_ =	shalt  }
0x52: {  	_ =	shalt  }
0x53: {  	_ =	shalt  }
0x54: {  	_ =	shalt  }
0x55: {  	_ =	shalt  }
0x56: {  	_ =	shalt  }
0x57: {  	_ =	shalt  }
0x58: {  	_ =	shalt  }
0x59: {  	_ =	shalt  }
0x5a: {  	_ =	shalt  }
0x5b: {  	_ =	shalt  }
0x5c: {  	_ =	shalt  }
0x5d: {  	_ =	shalt  }
0x5e: {  	_ =	shalt  }
0x5f: {  	_ =	shalt  }
0x60: {  	_ =	shalt  }
0x61: {  	_ =	shalt  }
0x62: {  	_ =	shalt  }
0x63: {  	_ =	shalt  }
0x64: {  	_ =	shalt  }
0x65: {  	_ =	shalt  }
0x66: {  	_ =	shalt  }
0x67: {  	_ =	shalt  }
0x68: {  	_ =	shalt  }
0x69: {  	_ =	shalt  }
0x6a: {  	_ =	shalt  }
0x6b: {  	_ =	shalt  }
0x6c: {  	_ =	shalt  }
0x6d: {  	_ =	shalt  }
0x6e: {  	_ =	shalt  }
0x6f: {  	_ =	shalt  }
0x70: {  	_ =	shalt  }
0x71: {  	_ =	shalt  }
0x72: {  	_ =	shalt  }
0x73: {  	_ =	shalt  }
0x74: {  	_ =	shalt  }
0x75: {  	_ =	shalt  }
0x76: {  	_ =	shalt  }
0x77: {  	_ =	shalt  }
0x78: {  	_ =	shalt  }
0x79: {  	_ =	shalt  }
0x7a: {  	_ =	shalt  }
0x7b: {  	_ =	shalt  }
0x7c: {  	_ =	shalt  }
0x7d: {  	_ =	shalt  }
0x7e: {  	_ =	shalt  }
0x7f: {  	_ =	shalt  }
0x80: {  	_ =	shalt  }
0x81: {  	_ =	shalt  }
0x82: {  	_ =	shalt  }
0x83: {  	_ =	shalt  }
0x84: {  	_ =	shalt  }
0x85: {  	_ =	shalt  }
0x86: {  	_ =	shalt  }
0x87: {  	_ =	shalt  }
.Lfunc_end0:
.L_simem_size_0:
called_computation_lowered:
.L_overlay_start_0:
0x88: {  	s2 =	sld [smem:$0x3FD9]  }
0x89: {  	s3 =	sld [smem:$0x3FFE];
	_ =	sdelay $0x1  }
0x8a: {  	s1 =	srdreg.scid  }
0x8b: {  	s0 =	sand.u32 $0x1, s1  }
0x8c: {  	s18 =	sshll.u32 s0, $0xA;
	s2 =	sadd.s32 s3, s2  }
0x8d: {  	s2 =	sadd.s32 s2, s18  }
0x8e: {  	[smem:$0x3FC6] =	sst s2  }
0x8f: {  	_ = 	snop  }
0x90: {  	s2 =	sld [smem:$0x3FC9]  }
0x91: {  	s19 =	sld [smem:$0x3FC8]  }
0x92: {  	s4 =	sld [smem:$0x3FD0];
	(tm) =	ssettm $0x1  }
0x93: {  	s5 =	sld [smem:$0x3FFB];
	_ =	sdelay $0x3  }
0x94: {  	_ =	strace s5  }
0x95: {  	s5 =	sld [smem:$0x3FFC];
	_ =	sdelay $0x3  }
0x96: {  	_ =	strace s5  }
0x97: {  	s5 =	sld [smem:$0x3FFD];
	_ =	sdelay $0x3  }
0x98: {  	_ =	strace s5  }
0x99: {  	_ =	strace $0x8FFFFFFF  }
0x9a: {  	s20 =	sld [smem:$0x3FDB];
	_ =	sdelay $0x1  }
0x9b: {  	s6 =	simm.s32 $_scs_section_size  }
0x9c: {  	s7 =	simm.s32 $_size__tile_overlayer_lowered;
	s8 =	simm.s32 $_tile_overlayer_lowered  }
0x9d: {  	s23 =	simm.s32 $0x1BFF;
	s22 =	sshll.u32 s8, $0x1;
	s5 =	sadd.s32 s6, s20  }
0x9e: {  	s9 =	simm.s32 $0x0;
	s21 =	sshll.u32 s7, $0x1;
	s7 =	sadd.s32 s22, s5  }
0x9f: {  	[timem:s9], [sflag:s23] =	dma.local [hbm:s7], s21  }
0xa0: {  	_ =	swait.ge [sflag:s23], s21  }
0xa1: {  	s6 =	ssub.s32 $0x0, s21;
	[sflag:s23] =	ssyncset.done $0x0  }
0xa2: {  	[sflag:s23] =	ssyncadd.s32 s6;
	_ =	sdelay $0x1  }
0xa3: {  	s24 =	simm.s32 $0x1B8B  }
0xa4: {  	_ =	swait.ge [sflag:s24], $0x1  }
0xa5: {  	[sflag:s24] =	ssyncset.done $0x0  }
0xa6: {  	s25 =	simm.s32 $0x1B8E;
	[sflag:s24] =	ssyncadd.s32 $0xFFFFFFFF  }
0xa7: {  	s26 =	simm.s32 $execute0_lowered;
	[smem:$0x3FD2] =	sst s25  }
0xa8: {  	s6 =	sshll.u32 s26, $0x1;
	_ =	strace $0x80000046;
	[dreg:$0x1] =	wrdreg $0xFFFFFFFF  }
0xa9: {  	s28 =	simm.s32 $_size_execute0_lowered;
	s5 =	sadd.s32 s5, s6;
	[dreg:$0x0] =	wrdreg $0x0  }
0xaa: {  	s6 =	sshll.u32 s28, $0x1;
	[dreg:$0x2] =	wrdreg s5  }
0xab: {  	[dreg:$0x3] =	wrdreg s6  }
0xac: {  	[dreg:$0x4] =	wrdreg $0xC0  }
0xad: {  	_ =	task [dreg:s9], $0x5FFFF  }
0xae: {  	[dreg:$0x1] =	wrdreg $0xFFFFFFFF  }
0xaf: {  	[dreg:$0x0] =	wrdreg $0x60  }
0xb0: {  	[dreg:$0x2] =	wrdreg s2  }
0xb1: {  	[dreg:$0x3] =	wrdreg s19  }
0xb2: {  	[dreg:$0x4] =	wrdreg s4  }
0xb3: {  	[dreg:$0x5] =	wrdreg $0x9  }
0xb4: {  	_ =	task.clear_ibuf [dreg:s9], $0x6FFFF;
	_ =	strace $0x90000046  }
0xb5: {  	s29 =	simm.s32 $0x9;
	_ =	strace $0x80000048  }
0xb6: {  	_ =	swait.ge [sflag:s29], $0x1  }
0xb7: {  	[sflag:s29] =	ssyncadd.s32 $0xFFFFFFFF  }
0xb8: {  	_ =	strace $0x90000048  }
0xb9: {  	_ =	sfence  }
0xba: {  	s30 =	sld [smem:$0x0];
	_ =	sdelay $0x2  }
0xbb: {  	s31 =	sshll.u32 s1, $0xD;
	s1 =	sshrl.u32 s1, $0x2  }
0xbc: {  	s3 =	sand.u32 $0x4000, s31;
	s1 =	sadd.s32 s1, s30  }
0xbd: {  	s0 =	sor.u32 s3, s0;
	s1 =	sshll.u32 s1, $0x11  }
0xbe: {  	s0 =	sor.u32 s1, s0  }
0xbf: {  	s0 =	sadd.s32 $0x8F2B, s0  }
0xc0: {  	[sflag:s0] =	ssyncadd.remote.s32 $0x1  }
0xc1: {  	_ =	sfence.sel $0xFFFF  }
0xc2: {  	[dreg:$0x0] =	wrdreg $0xFFFFFFFF;
	(pc) =	sbr.abs _section_cstart, $3  }
0xc3: {  	[dreg:$0x1] =	wrdreg $0xFFFFFFFF  }
0xc4: {  	_ =	task.clear_ibuf [dreg:s9], $0x2FFFF;
	_ =	strace $0x9FFFFFFF  }
0xc5: {  	(tm) =	ssettm $0x7FFFFFFF  }
tec
execute0_lowered:
.L_overlay_start_1:
0x0: {  	(tag) =	ssettag $0x1  }
0x1: {  	s1 =	rddreg [dreg:$0x0]  }
0x2: {  	s4 =	rddreg [dreg:$0x1]  }
0x3: {  	s5 =	rddreg [dreg:$0x2]  }
0x4: {  	s0 =	rddreg [dreg:$0x3];
	s3 =	simm.s32 $0x0  }
0x5: {  	s6 =	srdreg.scid;
	s2 =	stileid.u32;
	s11 =	simm.s32 $0x400  }
0x6: {  	s12 =	simm.s32 $0x18700;
	s13 =	simm.s32 $0x1;
	s14 =	simm.s32 $0x1C700  }
0x7: {  	s15 =	simm.s32 $0x1D700;
	s16 =	simm.s32 $0x2;
	s17 =	simm.s32 $0x0  }
0x8: {  	[smem:$0x7FF] =	sst s3;
	s6 =	sand.u32 $0x1, s6;
	s8 =	sshll.u32 s2, $0x8  }
0x9: {  	s7 =	sshrl.u32 s2, $0x2;
	s9 =	sshll.u32 s6, $0x7;
	s8 =	sand.u32 $0x300, s8  }
0xa: {  	s10 =	smul.u32 $0xC3800, s7;
	_ =	strace $0x80000047;
	s6 =	ssub.s32 $0x2, s6  }
0xb: {  	s7 =	sshll.u32 s7, $0x11;
	s8 =	sor.u32 s9, s8;
	s30 =	sshrl.u32 s6, $0x1  }
0xc: {  	s9 =	sor.u32 s10, s8;
	s7 =	sor.u32 s7, s8;
	s31 =	ssub.s32 s6, s30  }
0xd: {  	s10 =	simm.s32 $0x80;
	s9 =	sshrl.u32 s9, $0x3;
	s7 =	sshrl.u32 s7, $0x3  }
0xe: {  	s4 =	sadd.s32 s4, s9;
	s5 =	sadd.s32 s5, s7;
	s9 =	smax.u32 s31, $0x1  }
0xf: {  	s6 =	sadd.s32 $0x1000, s5;
	s7 =	sadd.s32 $0x2000, s5;
	s8 =	sadd.s32 $0x3000, s5  }
.LBB2_1:
0x10: {  	[tilespmem:s3], [sflag:$0x1] =	stream.strided.gather [hbm4b:s4+s10], $0x18700, s11, s10, $0x38;
	[tilespmem:$0x1E700] =	vst v63  }
0x11: {  	_ = 	snop  }
0x12: {  	[tilespmem:s12], [sflag:$0x1] =	stream.linear.gather [hbm4b:s1+s3], $0x4000, $0x38;
	[tilespmem:$0x1E700] =	vst v63  }
0x13: {  	_ =	swait.ge [sflag:s13], $0x18700  }
0x14: {  	[sflag:s13] =	ssyncset.done $0x0  }
0x15: {  	[sflag:s13] =	ssyncadd.s32 $0xFFFE7900  }
0x16: {  	_ =	swait.ge [sflag:s13], $0x4000  }
0x17: {  	[sflag:s13] =	ssyncset.done $0x0  }
0x18: {  	s18 =	simm.s32 $0x18740;
	[sflag:s13] =	ssyncadd.s32 $0xFFFFC000  }
0x19: {  	v0 =	vld [tilespmem:s18+$0x30]  }
0x1a: {  	v1 =	vld [tilespmem:s18+$0xFFFFFFD0]  }
0x1b: {  	v2 =	vld [tilespmem:s18+$0xFFFFFFE0]  }
0x1c: {  	v3 =	vld [tilespmem:s18+$0xFFFFFFF0]  }
0x1d: {  	v4 =	vld [tilespmem:s18+$0x0]  }
0x1e: {  	v6 =	vld [tilespmem:s18+$0x10]  }
0x1f: {  	v7 =	vld [tilespmem:s18+$0x20]  }
0x20: {  	v8 =	vld [tilespmem:s18+$0xFFFFFFC0]  }
0x21: {  	v9 =	vld.idx.msk [tilespmem:v0+s3+$0x0], $0xffff  }
0x22: {  	v10 =	vld.idx.msk [tilespmem:v1+s3+$0x0], $0xffff  }
0x23: {  	v5 =	vld.idx.msk [tilespmem:v2+s3+$0x0], $0xffff  }
0x24: {  	v3 =	vld.idx.msk [tilespmem:v3+s3+$0x0], $0xffff  }
0x25: {  	v0 =	vld.idx.msk [tilespmem:v4+s3+$0x0], $0xffff  }
0x26: {  	s18 =	simm.s32 $0x1C740;
	v1 =	vld.idx.msk [tilespmem:v6+s3+$0x0], $0xffff  }
0x27: {  	v2 =	vld.idx.msk [tilespmem:v7+s3+$0x0], $0xffff;
	[tilespmem:s18+$0x30] =	vst v9  }
0x28: {  	s19 =	simm.s32 $0x0;
	s20 =	simm.s32 $0x187C0;
	v4 =	vld.idx.msk [tilespmem:v8+s3+$0x0], $0xffff;
	[tilespmem:s18+$0xFFFFFFD0] =	vst v10  }
.LBB2_2:
0x29: {  	v6 =	vld [tilespmem:s20+$0x30];
	s19 =	sadd.s32 $0x80, s19;
	[tilespmem:s18+$0xFFFFFFE0] =	vst v5  }
0x2a: {  	v5 =	vld [tilespmem:s20+$0xFFFFFFD0];
	p0 =	slt.u32 s19, $0xF80;
	[tilespmem:s18+$0xFFFFFFF0] =	vst v3  }
0x2b: {  	v3 =	vld [tilespmem:s20+$0xFFFFFFE0];
	[tilespmem:s18+$0x0] =	vst v0  }
0x2c: {  	v0 =	vld [tilespmem:s20+$0xFFFFFFF0];
	[tilespmem:s18+$0x10] =	vst v1  }
0x2d: {  	v1 =	vld [tilespmem:s20+$0x0];
	[tilespmem:s18+$0x20] =	vst v2  }
0x2e: {  	v2 =	vld [tilespmem:s20+$0x10];
	[tilespmem:s18+$0xFFFFFFC0] =	vst v4  }
0x2f: {  	v4 =	vld [tilespmem:s20+$0x20]  }
0x30: {  	v7 =	vld [tilespmem:s20+$0xFFFFFFC0]  }
0x31: {  	v6 =	vld.idx.msk [tilespmem:v6+s3+$0x0], $0xffff  }
0x32: {  	v8 =	vld.idx.msk [tilespmem:v5+s3+$0x0], $0xffff  }
0x33: {  	v5 =	vld.idx.msk [tilespmem:v3+s3+$0x0], $0xffff  }
.Ltmp0:
0x34: {  	v3 =	vld.idx.msk [tilespmem:v0+s3+$0x0], $0xffff;
	(pc) =	sbr.rel @p0 .LBB2_2-.Ltmp0, $4  }
0x35: {  	v0 =	vld.idx.msk [tilespmem:v1+s3+$0x0], $0xffff  }
0x36: {  	s18 =	sadd.s32 $0x80, s18;
	v1 =	vld.idx.msk [tilespmem:v2+s3+$0x0], $0xffff  }
0x37: {  	v2 =	vld.idx.msk [tilespmem:v4+s3+$0x0], $0xffff;
	[tilespmem:s18+$0x30] =	vst v6  }
0x38: {  	s20 =	sadd.s32 $0x80, s20;
	v4 =	vld.idx.msk [tilespmem:v7+s3+$0x0], $0xffff;
	[tilespmem:s18+$0xFFFFFFD0] =	vst v8  }
0x39: {  	[tilespmem:s18+$0xFFFFFFE0] =	vst v5  }
0x3a: {  	[tilespmem:s18+$0xFFFFFFF0] =	vst v3  }
0x3b: {  	[tilespmem:s18+$0x0] =	vst v0  }
0x3c: {  	[tilespmem:s18+$0x10] =	vst v1  }
0x3d: {  	[tilespmem:s18+$0x20] =	vst v2  }
0x3e: {  	s31 =	simm.s32 $0x19770;
	[tilespmem:s18+$0xFFFFFFC0] =	vst v4  }
0x3f: {  	[hbm4b:s5+s10] =	stream.strided.scatter [tilespmem:s14], [sflag:$0x2], $0x1000, s11, s10, $0x38;
	[tilespmem:$0x1E700] =	vst v63  }
0x40: {  	v0 =	vld [tilespmem:s31+$0x0]  }
0x41: {  	v1 =	vld [tilespmem:s31+$0xFFFFFFA0]  }
0x42: {  	v2 =	vld [tilespmem:s31+$0xFFFFFFB0]  }
0x43: {  	v3 =	vld [tilespmem:s31+$0xFFFFFFC0]  }
0x44: {  	v4 =	vld [tilespmem:s31+$0xFFFFFFD0]  }
0x45: {  	v6 =	vld [tilespmem:s31+$0xFFFFFFE0]  }
0x46: {  	v7 =	vld [tilespmem:s31+$0xFFFFFFF0]  }
0x47: {  	v8 =	vld [tilespmem:s31+$0xFFFFFF90]  }
0x48: {  	v9 =	vld.idx.msk [tilespmem:v0+s3+$0x0], $0xffff  }
0x49: {  	v10 =	vld.idx.msk [tilespmem:v1+s3+$0x0], $0xffff  }
0x4a: {  	v5 =	vld.idx.msk [tilespmem:v2+s3+$0x0], $0xffff  }
0x4b: {  	v3 =	vld.idx.msk [tilespmem:v3+s3+$0x0], $0xffff  }
0x4c: {  	v0 =	vld.idx.msk [tilespmem:v4+s3+$0x0], $0xffff  }
0x4d: {  	s18 =	simm.s32 $0x1D740;
	v1 =	vld.idx.msk [tilespmem:v6+s3+$0x0], $0xffff  }
0x4e: {  	v2 =	vld.idx.msk [tilespmem:v7+s3+$0x0], $0xffff;
	[tilespmem:s18+$0x30] =	vst v9  }
0x4f: {  	s19 =	simm.s32 $0x0;
	s20 =	simm.s32 $0x197F0;
	v4 =	vld.idx.msk [tilespmem:v8+s3+$0x0], $0xffff;
	[tilespmem:s18+$0xFFFFFFD0] =	vst v10  }
.LBB2_4:
0x50: {  	v6 =	vld [tilespmem:s20+$0x0];
	s19 =	sadd.s32 $0x80, s19;
	[tilespmem:s18+$0xFFFFFFE0] =	vst v5  }
0x51: {  	v5 =	vld [tilespmem:s20+$0xFFFFFFA0];
	p0 =	slt.u32 s19, $0xF80;
	[tilespmem:s18+$0xFFFFFFF0] =	vst v3  }
0x52: {  	v3 =	vld [tilespmem:s20+$0xFFFFFFB0];
	[tilespmem:s18+$0x0] =	vst v0  }
0x53: {  	v0 =	vld [tilespmem:s20+$0xFFFFFFC0];
	[tilespmem:s18+$0x10] =	vst v1  }
0x54: {  	v1 =	vld [tilespmem:s20+$0xFFFFFFD0];
	[tilespmem:s18+$0x20] =	vst v2  }
0x55: {  	v2 =	vld [tilespmem:s20+$0xFFFFFFE0];
	[tilespmem:s18+$0xFFFFFFC0] =	vst v4  }
0x56: {  	v4 =	vld [tilespmem:s20+$0xFFFFFFF0]  }
0x57: {  	v7 =	vld [tilespmem:s20+$0xFFFFFF90]  }
0x58: {  	v6 =	vld.idx.msk [tilespmem:v6+s3+$0x0], $0xffff  }
0x59: {  	v8 =	vld.idx.msk [tilespmem:v5+s3+$0x0], $0xffff  }
0x5a: {  	v5 =	vld.idx.msk [tilespmem:v3+s3+$0x0], $0xffff  }
.Ltmp1:
0x5b: {  	v3 =	vld.idx.msk [tilespmem:v0+s3+$0x0], $0xffff;
	(pc) =	sbr.rel @p0 .LBB2_4-.Ltmp1, $4  }
0x5c: {  	v0 =	vld.idx.msk [tilespmem:v1+s3+$0x0], $0xffff  }
0x5d: {  	s18 =	sadd.s32 $0x80, s18;
	v1 =	vld.idx.msk [tilespmem:v2+s3+$0x0], $0xffff  }
0x5e: {  	v2 =	vld.idx.msk [tilespmem:v4+s3+$0x0], $0xffff;
	[tilespmem:s18+$0x30] =	vst v6  }
0x5f: {  	s20 =	sadd.s32 $0x80, s20;
	v4 =	vld.idx.msk [tilespmem:v7+s3+$0x0], $0xffff;
	[tilespmem:s18+$0xFFFFFFD0] =	vst v8  }
0x60: {  	[tilespmem:s18+$0xFFFFFFE0] =	vst v5  }
0x61: {  	[tilespmem:s18+$0xFFFFFFF0] =	vst v3  }
0x62: {  	[tilespmem:s18+$0x0] =	vst v0  }
0x63: {  	[tilespmem:s18+$0x10] =	vst v1  }
0x64: {  	[tilespmem:s18+$0x20] =	vst v2  }
0x65: {  	[tilespmem:s18+$0xFFFFFFC0] =	vst v4  }
0x66: {  	[hbm4b:s6+s10] =	stream.strided.scatter [tilespmem:s15], [sflag:$0x2], $0x1000, s11, s10, $0x38;
	[tilespmem:$0x1E700] =	vst v63  }
0x67: {  	_ =	swait.ge [sflag:s16], $0x1000  }
0x68: {  	[sflag:s16] =	ssyncset.done $0x0  }
0x69: {  	s31 =	simm.s32 $0x1A770;
	[sflag:s16] =	ssyncadd.s32 $0xFFFFF000  }
0x6a: {  	v0 =	vld [tilespmem:s31+$0x0]  }
0x6b: {  	v1 =	vld [tilespmem:s31+$0xFFFFFFA0]  }
0x6c: {  	v2 =	vld [tilespmem:s31+$0xFFFFFFB0]  }
0x6d: {  	v3 =	vld [tilespmem:s31+$0xFFFFFFC0]  }
0x6e: {  	v4 =	vld [tilespmem:s31+$0xFFFFFFD0]  }
0x6f: {  	v6 =	vld [tilespmem:s31+$0xFFFFFFE0]  }
0x70: {  	v7 =	vld [tilespmem:s31+$0xFFFFFFF0]  }
0x71: {  	v8 =	vld [tilespmem:s31+$0xFFFFFF90]  }
0x72: {  	v9 =	vld.idx.msk [tilespmem:v0+s3+$0x0], $0xffff  }
0x73: {  	v10 =	vld.idx.msk [tilespmem:v1+s3+$0x0], $0xffff  }
0x74: {  	v5 =	vld.idx.msk [tilespmem:v2+s3+$0x0], $0xffff  }
0x75: {  	v3 =	vld.idx.msk [tilespmem:v3+s3+$0x0], $0xffff  }
0x76: {  	v0 =	vld.idx.msk [tilespmem:v4+s3+$0x0], $0xffff  }
0x77: {  	s18 =	simm.s32 $0x1C740;
	v1 =	vld.idx.msk [tilespmem:v6+s3+$0x0], $0xffff  }
0x78: {  	v2 =	vld.idx.msk [tilespmem:v7+s3+$0x0], $0xffff;
	[tilespmem:s18+$0x30] =	vst v9  }
0x79: {  	s19 =	simm.s32 $0x0;
	s20 =	simm.s32 $0x1A7F0;
	v4 =	vld.idx.msk [tilespmem:v8+s3+$0x0], $0xffff;
	[tilespmem:s18+$0xFFFFFFD0] =	vst v10  }
.LBB2_6:
0x7a: {  	v6 =	vld [tilespmem:s20+$0x0];
	s19 =	sadd.s32 $0x80, s19;
	[tilespmem:s18+$0xFFFFFFE0] =	vst v5  }
0x7b: {  	v5 =	vld [tilespmem:s20+$0xFFFFFFA0];
	p0 =	slt.u32 s19, $0xF80;
	[tilespmem:s18+$0xFFFFFFF0] =	vst v3  }
0x7c: {  	v3 =	vld [tilespmem:s20+$0xFFFFFFB0];
	[tilespmem:s18+$0x0] =	vst v0  }
0x7d: {  	v0 =	vld [tilespmem:s20+$0xFFFFFFC0];
	[tilespmem:s18+$0x10] =	vst v1  }
0x7e: {  	v1 =	vld [tilespmem:s20+$0xFFFFFFD0];
	[tilespmem:s18+$0x20] =	vst v2  }
0x7f: {  	v2 =	vld [tilespmem:s20+$0xFFFFFFE0];
	[tilespmem:s18+$0xFFFFFFC0] =	vst v4  }
0x80: {  	v4 =	vld [tilespmem:s20+$0xFFFFFFF0]  }
0x81: {  	v7 =	vld [tilespmem:s20+$0xFFFFFF90]  }
0x82: {  	v6 =	vld.idx.msk [tilespmem:v6+s3+$0x0], $0xffff  }
0x83: {  	v8 =	vld.idx.msk [tilespmem:v5+s3+$0x0], $0xffff  }
0x84: {  	v5 =	vld.idx.msk [tilespmem:v3+s3+$0x0], $0xffff  }
.Ltmp2:
0x85: {  	v3 =	vld.idx.msk [tilespmem:v0+s3+$0x0], $0xffff;
	(pc) =	sbr.rel @p0 .LBB2_6-.Ltmp2, $4  }
0x86: {  	v0 =	vld.idx.msk [tilespmem:v1+s3+$0x0], $0xffff  }
0x87: {  	s18 =	sadd.s32 $0x80, s18;
	v1 =	vld.idx.msk [tilespmem:v2+s3+$0x0], $0xffff  }
0x88: {  	v2 =	vld.idx.msk [tilespmem:v4+s3+$0x0], $0xffff;
	[tilespmem:s18+$0x30] =	vst v6  }
0x89: {  	s20 =	sadd.s32 $0x80, s20;
	v4 =	vld.idx.msk [tilespmem:v7+s3+$0x0], $0xffff;
	[tilespmem:s18+$0xFFFFFFD0] =	vst v8  }
0x8a: {  	[tilespmem:s18+$0xFFFFFFE0] =	vst v5  }
0x8b: {  	[tilespmem:s18+$0xFFFFFFF0] =	vst v3  }
0x8c: {  	[tilespmem:s18+$0x0] =	vst v0  }
0x8d: {  	[tilespmem:s18+$0x10] =	vst v1  }
0x8e: {  	[tilespmem:s18+$0x20] =	vst v2  }
0x8f: {  	[tilespmem:s18+$0xFFFFFFC0] =	vst v4  }
0x90: {  	[hbm4b:s7+s10] =	stream.strided.scatter [tilespmem:s14], [sflag:$0x2], $0x1000, s11, s10, $0x38;
	[tilespmem:$0x1E700] =	vst v63  }
0x91: {  	_ =	swait.ge [sflag:s16], $0x1000  }
0x92: {  	[sflag:s16] =	ssyncset.done $0x0  }
0x93: {  	s31 =	simm.s32 $0x1B770;
	[sflag:s16] =	ssyncadd.s32 $0xFFFFF000  }
0x94: {  	v0 =	vld [tilespmem:s31+$0x0]  }
0x95: {  	v1 =	vld [tilespmem:s31+$0xFFFFFFA0]  }
0x96: {  	v2 =	vld [tilespmem:s31+$0xFFFFFFB0]  }
0x97: {  	v3 =	vld [tilespmem:s31+$0xFFFFFFC0]  }
0x98: {  	v4 =	vld [tilespmem:s31+$0xFFFFFFD0]  }
0x99: {  	v6 =	vld [tilespmem:s31+$0xFFFFFFE0]  }
0x9a: {  	v7 =	vld [tilespmem:s31+$0xFFFFFFF0]  }
0x9b: {  	v8 =	vld [tilespmem:s31+$0xFFFFFF90]  }
0x9c: {  	v9 =	vld.idx.msk [tilespmem:v0+s3+$0x0], $0xffff  }
0x9d: {  	v10 =	vld.idx.msk [tilespmem:v1+s3+$0x0], $0xffff  }
0x9e: {  	v5 =	vld.idx.msk [tilespmem:v2+s3+$0x0], $0xffff  }
0x9f: {  	v3 =	vld.idx.msk [tilespmem:v3+s3+$0x0], $0xffff  }
0xa0: {  	v0 =	vld.idx.msk [tilespmem:v4+s3+$0x0], $0xffff  }
0xa1: {  	s18 =	simm.s32 $0x1D740;
	v1 =	vld.idx.msk [tilespmem:v6+s3+$0x0], $0xffff  }
0xa2: {  	v2 =	vld.idx.msk [tilespmem:v7+s3+$0x0], $0xffff;
	[tilespmem:s18+$0x30] =	vst v9  }
0xa3: {  	s19 =	simm.s32 $0x0;
	s20 =	simm.s32 $0x1B7F0;
	v4 =	vld.idx.msk [tilespmem:v8+s3+$0x0], $0xffff;
	[tilespmem:s18+$0xFFFFFFD0] =	vst v10  }
.LBB2_8:
0xa4: {  	v6 =	vld [tilespmem:s20+$0x0];
	s19 =	sadd.s32 $0x80, s19;
	[tilespmem:s18+$0xFFFFFFE0] =	vst v5  }
0xa5: {  	v5 =	vld [tilespmem:s20+$0xFFFFFFA0];
	p0 =	slt.u32 s19, $0xF80;
	[tilespmem:s18+$0xFFFFFFF0] =	vst v3  }
0xa6: {  	v3 =	vld [tilespmem:s20+$0xFFFFFFB0];
	[tilespmem:s18+$0x0] =	vst v0  }
0xa7: {  	v0 =	vld [tilespmem:s20+$0xFFFFFFC0];
	[tilespmem:s18+$0x10] =	vst v1  }
0xa8: {  	v1 =	vld [tilespmem:s20+$0xFFFFFFD0];
	[tilespmem:s18+$0x20] =	vst v2  }
0xa9: {  	v2 =	vld [tilespmem:s20+$0xFFFFFFE0];
	[tilespmem:s18+$0xFFFFFFC0] =	vst v4  }
0xaa: {  	v4 =	vld [tilespmem:s20+$0xFFFFFFF0]  }
0xab: {  	v7 =	vld [tilespmem:s20+$0xFFFFFF90]  }
0xac: {  	v6 =	vld.idx.msk [tilespmem:v6+s3+$0x0], $0xffff  }
0xad: {  	v8 =	vld.idx.msk [tilespmem:v5+s3+$0x0], $0xffff  }
0xae: {  	v5 =	vld.idx.msk [tilespmem:v3+s3+$0x0], $0xffff  }
.Ltmp3:
0xaf: {  	v3 =	vld.idx.msk [tilespmem:v0+s3+$0x0], $0xffff;
	(pc) =	sbr.rel @p0 .LBB2_8-.Ltmp3, $4  }
0xb0: {  	v0 =	vld.idx.msk [tilespmem:v1+s3+$0x0], $0xffff  }
0xb1: {  	s18 =	sadd.s32 $0x80, s18;
	v1 =	vld.idx.msk [tilespmem:v2+s3+$0x0], $0xffff  }
0xb2: {  	v2 =	vld.idx.msk [tilespmem:v4+s3+$0x0], $0xffff;
	[tilespmem:s18+$0x30] =	vst v6  }
0xb3: {  	s20 =	sadd.s32 $0x80, s20;
	v4 =	vld.idx.msk [tilespmem:v7+s3+$0x0], $0xffff;
	[tilespmem:s18+$0xFFFFFFD0] =	vst v8  }
0xb4: {  	[tilespmem:s18+$0xFFFFFFE0] =	vst v5  }
0xb5: {  	[tilespmem:s18+$0xFFFFFFF0] =	vst v3  }
0xb6: {  	[tilespmem:s18+$0x0] =	vst v0  }
0xb7: {  	[tilespmem:s18+$0x10] =	vst v1  }
0xb8: {  	[tilespmem:s18+$0x20] =	vst v2  }
0xb9: {  	s17 =	sadd.s32 $0x1, s17;
	[tilespmem:s18+$0xFFFFFFC0] =	vst v4  }
0xba: {  	[hbm4b:s8+s10] =	stream.strided.scatter [tilespmem:s15], [sflag:$0x2], $0x1000, s11, s10, $0x38;
	[tilespmem:$0x1E700] =	vst v63  }
0xbb: {  	p0 =	sne.s32 s17, s9;
	_ =	swait.ge [sflag:s16], $0x1000  }
.Ltmp4:
0xbc: {  	[sflag:s16] =	ssyncset.done $0x0;
	(pc) =	sbr.rel @p0 .LBB2_1-.Ltmp4, $4  }
0xbd: {  	[sflag:s16] =	ssyncadd.s32 $0xFFFFF000  }
0xbe: {  	_ =	swait.ge [sflag:s16], $0x1000  }
0xbf: {  	[sflag:s16] =	ssyncset.done $0x0  }
0xc0: {  	[sflag:s16] =	ssyncadd.s32 $0xFFFFF000  }
0xc1: {  	_ =	sfence.sel $0x180000  }
0xc2: {  	[bflag:$0x0] =	sbarrier.arrive $0xFFFF  }
0xc3: {  	p0 =	sne.s32 s2, $0x0;
	_ =	strace $0x90000047  }
0xc4: {  	s0 =	sadd.s32 @!p0 $0x100000, s0;
	[bflag:$0x2] =	sbarrier.arrive $0xFFFF  }
0xc5: {  	[sflag:s0] =	ssyncadd.tile.s32 @!p0 $0x1;
	_ =	shalt  }
.Lfunc_end2:
_tile_overlayer_lowered:
.L_overlay_start_2:
0xc6: {  	(tag) =	ssettag $0x2  }
0xc7: {  	s0 =	rddreg [dreg:$0x0];
	s2 =	stileid.u32  }
0xc8: {  	s1 =	rddreg [dreg:$0x1];
	p0 =	sne.s32 s2, $0x0  }
0xc9: {  	s3 =	rddreg [dreg:$0x2];
	[bflag:$0x3] =	sbarrier.arrive $0xFFFF;
	s2 =	simm.s32 @!p0 $0x1C03  }
0xca: {  	[timem:s3], [sflag:s2] =	dma.local @!p0 [hbm:s0], s1  }
0xcb: {  	s0 =	simm.s32 @!p0 $0x3  }
0xcc: {  	_ =	swait.ge @!p0 [sflag:s0], s1  }
0xcd: {  	s1 =	ssub.s32 @!p0 $0x0, s1;
	[sflag:s0] =	ssyncset.done @!p0 $0x0  }
0xce: {  	[sflag:s0] =	ssyncadd.s32 @!p0 s1  }
0xcf: {  	[bflag:$0x3] =	sbarrier.arrive $0xFFFF  }
0xd0: {  	_ =	shalt  }

</sc_bundles>
